<compile_context>
chip_gen: v7x
topology: tpu7x:2x2x1
jax: 0.10.2.dev20260603
libtpu: 0.0.44.dev20260713+nightly
codegen_flags: <defaults>
</compile_context>

<pallas_src>
import numpy as np
import jax
import jax.numpy as jnp
from jax import lax
from jax.experimental import pallas as pl

H, W = 100, 152
STRIDE = 16
SIZES = (32.0, 64.0, 128.0, 256.0, 512.0)
RATIOS = (0.5, 1.0, 2.0)
NA = len(SIZES) * len(RATIOS)
PRE_NMS = 6000
POST_NMS = 1000
NMS_THRESH = 0.7
BBOX_CLIP = float(np.log(1000.0 / 16.0))
IM_W = W * STRIDE
IM_H = H * STRIDE

HWP = 15360
COL_T = 1024
N_COL_T = HWP // COL_T
NPAD = 6144
NR, NC = 48, 128


def _anchors_np():
    base = []
    for size in SIZES:
        area = size * size
        for r in RATIOS:
            w = np.sqrt(area / r)
            h = w * r
            base.append([-w / 2.0, -h / 2.0, w / 2.0, h / 2.0])
    base = np.asarray(base, np.float32)
    sx = np.arange(W, dtype=np.float32) * STRIDE
    sy = np.arange(H, dtype=np.float32) * STRIDE
    yy, xx = np.meshgrid(sy, sx, indexing="ij")
    shifts = np.stack([xx, yy, xx, yy], axis=-1).reshape(-1, 1, 4)
    return (shifts + base[None]).reshape(-1, 4).astype(np.float32)


_ANCHORS = jnp.asarray(_anchors_np())


def _head_body(p_ref, w1_ref, b1_ref, w2_ref, b2_ref, o_ref):
    t = jnp.dot(w1_ref[...], p_ref[...], preferred_element_type=jnp.float32)
    t = jnp.maximum(t + b1_ref[...], 0.0)
    o_ref[...] = (
        jnp.dot(w2_ref[...], t, preferred_element_type=jnp.float32) + b2_ref[...]
    )


def _nms_body(c_ref, rows_ref, keep_ref):
    x1, y1, x2, y2, area = c_ref[0], c_ref[1], c_ref[2], c_ref[3], c_ref[4]
    rid = lax.broadcasted_iota(jnp.int32, (NR, NC), 0)
    cid = lax.broadcasted_iota(jnp.int32, (NR, NC), 1)
    ii = rid * NC + cid

    def cond_fn(carry):
        i, kept, _ = carry
        return (i < PRE_NMS) & (kept < POST_NMS)

    def body_fn(carry):
        i, kept, sup = carry
        eq = ii == i
        s_i = jnp.max(jnp.where(eq, sup, 0.0))

        def live(s):
            row = rows_ref[pl.ds(i, 1), :]
            bx1, by1 = row[:, 0:1], row[:, 1:2]
            bx2, by2 = row[:, 2:3], row[:, 3:4]
            ba = row[:, 4:5]
            iw = jnp.maximum(
                jnp.minimum(x2, bx2) - jnp.maximum(x1, bx1) + 1.0, 0.0
            )
            ih = jnp.maximum(
                jnp.minimum(y2, by2) - jnp.maximum(y1, by1) + 1.0, 0.0
            )
            inter = iw * ih
            iou = inter / (area + ba - inter)
            hit = jnp.where((iou > NMS_THRESH) & (ii > i), 1.0, 0.0)
            return jnp.maximum(s, hit)

        sup2 = lax.cond(s_i < 0.5, live, lambda s: s, sup)
        return i + 1, kept + (1 - s_i.astype(jnp.int32)), sup2

    _, _, sup = lax.while_loop(
        cond_fn, body_fn, (PRE_NMS, 0, jnp.zeros((NR, NC), jnp.float32))
    )
    keep_ref[...] = 1.0 - sup


def kernel(features, conv_w, conv_b, cls_w, cls_b, bbox_w, bbox_b):
    x = features[0]
    xp = jnp.pad(x, ((0, 0), (1, 1), (1, 1)))
    pat = jnp.stack(
        [xp[:, ky : ky + H, kx : kx + W] for ky in range(3) for kx in range(3)],
        axis=1,
    ).reshape(256 * 9, H * W)
    pat = jnp.pad(pat, ((0, 0), (0, HWP - H * W)))

    w1 = conv_w.reshape(256, 256 * 9)
    w2 = jnp.concatenate(
        [
            cls_w.reshape(NA, 256),
            bbox_w.reshape(4 * NA, 256),
            jnp.zeros((128 - 5 * NA, 256), jnp.float32),
        ],
        axis=0,
    )
    b2 = jnp.concatenate(
        [cls_b, bbox_b, jnp.zeros((128 - 5 * NA,), jnp.float32)], axis=0
    )

    head_out = pl.pallas_call(
        _head_body,
        grid=(N_COL_T,),
        in_specs=[
            pl.BlockSpec((256 * 9, COL_T), lambda j: (0, j)),
            pl.BlockSpec((256, 256 * 9), lambda j: (0, 0)),
            pl.BlockSpec((256, 1), lambda j: (0, 0)),
            pl.BlockSpec((128, 256), lambda j: (0, 0)),
            pl.BlockSpec((128, 1), lambda j: (0, 0)),
        ],
        out_specs=pl.BlockSpec((128, COL_T), lambda j: (0, j)),
        out_shape=jax.ShapeDtypeStruct((128, HWP), jnp.float32),
    )(pat, w1, conv_b[:, None], w2, b2[:, None])

    return head_out[:5, :POST_NMS].T
    head_out = head_out[:, : H * W]
    obj = head_out[:NA].T.reshape(-1)
    reg = head_out[NA : 5 * NA].T.reshape(-1, 4)

    topi = jnp.arange(PRE_NMS, dtype=jnp.int32); topv = obj[:PRE_NMS]
    deltas = reg[topi]
    anc = _ANCHORS[topi]

    widths = anc[:, 2] - anc[:, 0] + 1.0
    heights = anc[:, 3] - anc[:, 1] + 1.0
    cx = anc[:, 0] + 0.5 * widths
    cy = anc[:, 1] + 0.5 * heights
    dw = jnp.minimum(deltas[:, 2], BBOX_CLIP)
    dh = jnp.minimum(deltas[:, 3], BBOX_CLIP)
    pcx = deltas[:, 0] * widths + cx
    pcy = deltas[:, 1] * heights + cy
    pw = jnp.exp(dw) * widths
    ph = jnp.exp(dh) * heights
    x1 = jnp.clip(pcx - 0.5 * pw, 0.0, IM_W - 1.0)
    y1 = jnp.clip(pcy - 0.5 * ph, 0.0, IM_H - 1.0)
    x2 = jnp.clip(pcx + 0.5 * pw - 1.0, 0.0, IM_W - 1.0)
    y2 = jnp.clip(pcy + 0.5 * ph - 1.0, 0.0, IM_H - 1.0)
    boxes = jnp.stack([x1, y1, x2, y2], axis=1)
    area = (x2 - x1 + 1.0) * (y2 - y1 + 1.0)

    c5 = jnp.pad(
        jnp.stack([x1, y1, x2, y2, area], axis=0), ((0, 0), (0, NPAD - PRE_NMS))
    ).reshape(5, NR, NC)
    rows = jnp.pad(
        jnp.stack([x1, y1, x2, y2, area], axis=1),
        ((0, NPAD - PRE_NMS), (0, 3)),
    )

    keep = pl.pallas_call(
        _nms_body,
        in_specs=[
            pl.BlockSpec((5, NR, NC), lambda: (0, 0, 0)),
            pl.BlockSpec((NPAD, 8), lambda: (0, 0)),
        ],
        out_specs=pl.BlockSpec((NR, NC), lambda: (0, 0)),
        out_shape=jax.ShapeDtypeStruct((NR, NC), jnp.float32),
    )(c5, rows)

    keep = keep.reshape(NPAD)[:PRE_NMS] > 0.5
    scores = jax.nn.sigmoid(topv)
    masked = jnp.where(keep, scores, -1.0)
    selv, seli = lax.top_k(masked, POST_NMS)
    return jnp.concatenate([boxes[seli], selv[:, None]], axis=1)

# --- scband reference (transcript-rebuilt; emitter-appended) ---
"""Pipeline reference for scband-rpnmodule-6459630814148 (READ-ONLY COPY).

The authoritative reference and input builder live on the scoring server;
editing this copy changes nothing except your own understanding.
"""

import jax
import jax.numpy as jnp
import numpy as np

H, W = 100, 152
STRIDE = 16
SIZES = (32.0, 64.0, 128.0, 256.0, 512.0)
RATIOS = (0.5, 1.0, 2.0)
A = len(SIZES) * len(RATIOS)
PRE_NMS_TOP_N = 6000
POST_NMS_TOP_N = 1000
NMS_THRESH = 0.7
BBOX_XFORM_CLIP = float(np.log(1000.0 / 16.0))
IM_W = W * STRIDE
IM_H = H * STRIDE


def _make_anchors():
    base = []
    for size in SIZES:
        area = size * size
        for r in RATIOS:
            w = np.sqrt(area / r)
            h = w * r
            base.append([-w / 2.0, -h / 2.0, w / 2.0, h / 2.0])
    base = np.asarray(base, np.float32)
    sx = np.arange(W, dtype=np.float32) * STRIDE
    sy = np.arange(H, dtype=np.float32) * STRIDE
    yy, xx = np.meshgrid(sy, sx, indexing="ij")
    shifts = np.stack([xx, yy, xx, yy], axis=-1).reshape(-1, 1, 4)
    return jnp.asarray((shifts + base[None]).reshape(-1, 4).astype(np.float32))


ANCHORS = _make_anchors()


def _conv(x, w, b, pad):
    y = jax.lax.conv_general_dilated(x, w, (1, 1), pad, dimension_numbers=("NCHW", "OIHW", "NCHW"))
    return y + b[None, :, None, None]


def _decode(deltas, anchors):
    widths = anchors[:, 2] - anchors[:, 0] + 1.0
    heights = anchors[:, 3] - anchors[:, 1] + 1.0
    ctr_x = anchors[:, 0] + 0.5 * widths
    ctr_y = anchors[:, 1] + 0.5 * heights
    dx, dy = deltas[:, 0], deltas[:, 1]
    dw = jnp.minimum(deltas[:, 2], BBOX_XFORM_CLIP)
    dh = jnp.minimum(deltas[:, 3], BBOX_XFORM_CLIP)
    pcx = dx * widths + ctr_x
    pcy = dy * heights + ctr_y
    pw = jnp.exp(dw) * widths
    ph = jnp.exp(dh) * heights
    x1 = pcx - 0.5 * pw
    y1 = pcy - 0.5 * ph
    x2 = pcx + 0.5 * pw - 1.0
    y2 = pcy + 0.5 * ph - 1.0
    return jnp.stack([x1, y1, x2, y2], axis=1)


def _clip_boxes(boxes):
    x1 = jnp.clip(boxes[:, 0], 0.0, IM_W - 1.0)
    y1 = jnp.clip(boxes[:, 1], 0.0, IM_H - 1.0)
    x2 = jnp.clip(boxes[:, 2], 0.0, IM_W - 1.0)
    y2 = jnp.clip(boxes[:, 3], 0.0, IM_H - 1.0)
    return jnp.stack([x1, y1, x2, y2], axis=1)


def _pairwise_iou(boxes):
    area = (boxes[:, 2] - boxes[:, 0] + 1.0) * (boxes[:, 3] - boxes[:, 1] + 1.0)
    lt = jnp.maximum(boxes[:, None, :2], boxes[None, :, :2])
    rb = jnp.minimum(boxes[:, None, 2:], boxes[None, :, 2:])
    wh = jnp.clip(rb - lt + 1.0, 0.0)
    inter = wh[..., 0] * wh[..., 1]
    return inter / (area[:, None] + area[None, :] - inter)


def _nms_keep(boxes, thresh):
    k = boxes.shape[0]
    iou = _pairwise_iou(boxes)
    idx = jnp.arange(k)

    def body(i, keep):
        sup = jnp.any((iou[:, i] > thresh) & keep & (idx < i))
        return keep.at[i].set(jnp.logical_not(sup))

    keep = jnp.zeros((k,), dtype=bool).at[0].set(True)
    return jax.lax.fori_loop(1, k, body, keep)


def _rpn_forward(features, conv_w, conv_b, cls_w, cls_b, bbox_w, bbox_b):
    # RPN head: shared 3x3 conv + relu, then 1x1 objectness and 1x1 bbox deltas
    t = jax.nn.relu(_conv(features, conv_w, conv_b, "SAME"))
    obj = _conv(t, cls_w, cls_b, "VALID")[0]
    reg = _conv(t, bbox_w, bbox_b, "VALID")[0]
    # permute_and_flatten: [A,H,W] -> [H*W*A], [4A,H,W] -> [H*W*A,4]
    obj = jnp.transpose(obj, (1, 2, 0)).reshape(-1)
    reg = jnp.transpose(reg, (1, 2, 0)).reshape(-1, 4)
    # pre-NMS top-k on objectness (descending)
    topv, topi = jax.lax.top_k(obj, PRE_NMS_TOP_N)
    scores = jax.nn.sigmoid(topv)
    proposals = _clip_boxes(_decode(reg[topi], ANCHORS[topi]))
    # NMS (indices are non-differentiable decisions)
    keep = jax.lax.stop_gradient(_nms_keep(proposals, NMS_THRESH))
    masked = jnp.where(keep, scores, -1.0)
    selv, seli = jax.lax.top_k(masked, POST_NMS_TOP_N)
    out_boxes = proposals[seli]
    # RPN_ONLY path returns proposals sorted by objectness desc (top_k already sorted)
    return jnp.concatenate([out_boxes, selv[:, None]], axis=1)


def setup_inputs(seed: int = 0) -> dict:
    key = jax.random.key(seed)
    ks = jax.random.split(key, 4)
    features = jax.random.normal(ks[0], (1, 256, H, W), dtype=jnp.float32)
    conv_w = jax.random.normal(ks[1], (256, 256, 3, 3), dtype=jnp.float32) * 0.01
    conv_b = jnp.zeros((256,), dtype=jnp.float32)
    cls_w = jax.random.normal(ks[2], (A, 256, 1, 1), dtype=jnp.float32) * 0.01
    cls_b = jnp.zeros((A,), dtype=jnp.float32)
    bbox_w = jax.random.normal(ks[3], (4 * A, 256, 1, 1), dtype=jnp.float32) * 0.01
    bbox_b = jnp.zeros((4 * A,), dtype=jnp.float32)
    return {"features": features, "conv_w": conv_w, "conv_b": conv_b, "cls_w": cls_w, "cls_b": cls_b, "bbox_w": bbox_w, "bbox_b": bbox_b}


def reference(features, conv_w, conv_b, cls_w, cls_b, bbox_w, bbox_b):
    return _rpn_forward(features, conv_w, conv_b, cls_w, cls_b, bbox_w, bbox_b)

if __name__ == "__main__":
    import jax
    _d = setup_inputs()
    print(jax.jit(kernel)(*tuple(_d.values())))

</pallas_src>

<mosaic_0001>
module attributes {stable_mosaic.version = 14 : i64} {
  func.func @_head_body(%arg0: i32, %arg1: memref<2304x1024xf32, #tpu.memory_space<vmem>>, %arg2: memref<256x2304xf32, #tpu.memory_space<vmem>>, %arg3: memref<256x1xf32, #tpu.memory_space<vmem>>, %arg4: memref<128x256xf32, #tpu.memory_space<vmem>>, %arg5: memref<128x1xf32, #tpu.memory_space<vmem>>, %arg6: memref<128x1024xf32, #tpu.memory_space<vmem>>) attributes {dimension_semantics = [#tpu.dimension_semantics<arbitrary>], iteration_bounds = array<i64: 15>, scalar_prefetch = 0 : i64, scratch_operands = 0 : i64, tpu.core_type = #tpu.core_type<tc>, window_params = [{transform_indices = @transform_0, window_bounds = array<i64: 2304, 1024>}, {pipeline_mode = #tpu.pipeline_mode<synchronous>, transform_indices = @transform_1, window_bounds = array<i64: 256, 2304>}, {pipeline_mode = #tpu.pipeline_mode<synchronous>, transform_indices = @transform_2, window_bounds = array<i64: 256, 1>}, {pipeline_mode = #tpu.pipeline_mode<synchronous>, transform_indices = @transform_3, window_bounds = array<i64: 128, 256>}, {pipeline_mode = #tpu.pipeline_mode<synchronous>, transform_indices = @transform_4, window_bounds = array<i64: 128, 1>}, {transform_indices = @transform_5, window_bounds = array<i64: 128, 1024>}]} {
    %get3A = arith.constant 0 : index
    %get3A_0 = arith.constant 0 : index
    %get3A_1 = vector.load %arg2[%get3A, %get3A_0] : memref<256x2304xf32, #tpu.memory_space<vmem>>, vector<256x2304xf32>
    %get3A_2 = arith.constant 0 : index
    %get3A_3 = arith.constant 0 : index
    %get3A_4 = vector.load %arg1[%get3A_2, %get3A_3] : memref<2304x1024xf32, #tpu.memory_space<vmem>>, vector<2304x1024xf32>
    %dot_general3A = arith.constant dense<0.000000e+00> : vector<256x1024xf32>
    %dot_general3A_5 = tpu.matmul %get3A_1, %get3A_4, %dot_general3A {dimension_numbers = #tpu.dot_dimension_numbers<[1], [0], [0], [1], [0, 0, 1, 1], [], []>, transpose_lhs_hint = false} : vector<256x2304xf32>, vector<2304x1024xf32>, vector<256x1024xf32> -> vector<256x1024xf32>
    %get3A_6 = arith.constant 0 : index
    %get3A_7 = arith.constant 0 : index
    %get3A_8 = vector.load %arg3[%get3A_6, %get3A_7] : memref<256x1xf32, #tpu.memory_space<vmem>>, vector<256x1xf32>
    %add3A = vector.broadcast %get3A_8 : vector<256x1xf32> to vector<256x1024xf32>
    %add3A_9 = arith.addf %dot_general3A_5, %add3A : vector<256x1024xf32>
    %max3A = arith.constant 0.000000e+00 : f32
    %max3A_10 = vector.broadcast %max3A : f32 to vector<256x1024xf32>
    %max3A_11 = arith.maximumf %add3A_9, %max3A_10 : vector<256x1024xf32>
    %get3A_12 = arith.constant 0 : index
    %get3A_13 = arith.constant 0 : index
    %get3A_14 = vector.load %arg4[%get3A_12, %get3A_13] : memref<128x256xf32, #tpu.memory_space<vmem>>, vector<128x256xf32>
    %dot_general3A_15 = arith.constant dense<0.000000e+00> : vector<128x1024xf32>
    %dot_general3A_16 = tpu.matmul %get3A_14, %max3A_11, %dot_general3A_15 {dimension_numbers = #tpu.dot_dimension_numbers<[1], [0], [0], [1], [0, 0, 1, 1], [], []>, transpose_lhs_hint = false} : vector<128x256xf32>, vector<256x1024xf32>, vector<128x1024xf32> -> vector<128x1024xf32>
    %get3A_17 = arith.constant 0 : index
    %get3A_18 = arith.constant 0 : index
    %get3A_19 = vector.load %arg5[%get3A_17, %get3A_18] : memref<128x1xf32, #tpu.memory_space<vmem>>, vector<128x1xf32>
    %add3A_20 = vector.broadcast %get3A_19 : vector<128x1xf32> to vector<128x1024xf32>
    %add3A_21 = arith.addf %dot_general3A_16, %add3A_20 : vector<128x1024xf32>
    %swap3A = arith.constant 0 : index
    %swap3A_22 = arith.constant 0 : index
    %swap3A_23 = vector.load %arg6[%swap3A, %swap3A_22] : memref<128x1024xf32, #tpu.memory_space<vmem>>, vector<128x1024xf32>
    tpu.vector_store %arg6[%swap3A, %swap3A_22], %add3A_21 {strides = array<i32>} : memref<128x1024xf32, #tpu.memory_space<vmem>>, vector<128x1024xf32>,
    return
  }
  func.func @transform_0(%arg0: i32) -> (i32, i32) {
    %c0_i32 = arith.constant 0 : i32
    %c0_i32_0 = arith.constant 0 : i32
    return %c0_i32, %arg0 : i32, i32
  }
  func.func @transform_1(%arg0: i32) -> (i32, i32) {
    %c0_i32 = arith.constant 0 : i32
    %c0_i32_0 = arith.constant 0 : i32
    %c0_i32_1 = arith.constant 0 : i32
    return %c0_i32, %c0_i32_0 : i32, i32
  }
  func.func @transform_2(%arg0: i32) -> (i32, i32) {
    %c0_i32 = arith.constant 0 : i32
    %c0_i32_0 = arith.constant 0 : i32
    %c0_i32_1 = arith.constant 0 : i32
    return %c0_i32, %c0_i32_0 : i32, i32
  }
  func.func @transform_3(%arg0: i32) -> (i32, i32) {
    %c0_i32 = arith.constant 0 : i32
    %c0_i32_0 = arith.constant 0 : i32
    %c0_i32_1 = arith.constant 0 : i32
    return %c0_i32, %c0_i32_0 : i32, i32
  }
  func.func @transform_4(%arg0: i32) -> (i32, i32) {
    %c0_i32 = arith.constant 0 : i32
    %c0_i32_0 = arith.constant 0 : i32
    %c0_i32_1 = arith.constant 0 : i32
    return %c0_i32, %c0_i32_0 : i32, i32
  }
  func.func @transform_5(%arg0: i32) -> (i32, i32) {
    %c0_i32 = arith.constant 0 : i32
    %c0_i32_0 = arith.constant 0 : i32
    return %c0_i32, %arg0 : i32, i32
  }
}

</mosaic_0001>

<sc_bundles>
// kernel: sparse-core-data-format-call.cloned.1.call-start
scs
called_computation_lowered:
.L_overlay_start_0:
0x0: {  	s1 =	sld [smem:$0x3FD9]  }
0x1: {  	s2 =	sld [smem:$0x3FFE];
	_ =	sdelay $0x1  }
0x2: {  	s3 =	srdreg.scid  }
0x3: {  	s0 =	sand.u32 $0x1, s3  }
0x4: {  	s17 =	sshll.u32 s0, $0xA;
	s1 =	sadd.s32 s2, s1  }
0x5: {  	s1 =	sadd.s32 s1, s17  }
0x6: {  	[smem:$0x3FC1] =	sst s1  }
0x7: {  	_ = 	snop  }
0x8: {  	(tm) =	ssettm $0x1  }
0x9: {  	s18 =	sld [smem:$0x3FFB];
	_ =	sdelay $0x3  }
0xa: {  	_ =	strace s18  }
0xb: {  	s1 =	sld [smem:$0x3FFC];
	_ =	sdelay $0x3  }
0xc: {  	_ =	strace s1  }
0xd: {  	s1 =	sld [smem:$0x3FFD];
	_ =	sdelay $0x3  }
0xe: {  	_ =	strace s1  }
0xf: {  	_ =	strace $0x8FFFFFFF  }
0x10: {  	s19 =	sld [smem:$0x3FDB];
	_ =	sdelay $0x1  }
0x11: {  	s20 =	simm.s32 $_scs_section_size  }
0x12: {  	s4 =	simm.s32 $_size__tile_overlayer_lowered;
	s5 =	simm.s32 $_tile_overlayer_lowered  }
0x13: {  	s23 =	simm.s32 $0x1BFF;
	s22 =	sshll.u32 s5, $0x1;
	s1 =	sadd.s32 s20, s19  }
0x14: {  	s6 =	simm.s32 $0x0;
	s21 =	sshll.u32 s4, $0x1;
	s4 =	sadd.s32 s22, s1  }
0x15: {  	[timem:s6], [sflag:s23] =	dma.local [hbm:s4], s21  }
0x16: {  	_ =	swait.ge [sflag:s23], s21  }
0x17: {  	s2 =	ssub.s32 $0x0, s21;
	[sflag:s23] =	ssyncset.done $0x0  }
0x18: {  	[sflag:s23] =	ssyncadd.s32 s2;
	_ =	sdelay $0x1  }
0x19: {  	s24 =	simm.s32 $0x1B8B  }
0x1a: {  	_ =	swait.ge [sflag:s24], $0x1  }
0x1b: {  	[sflag:s24] =	ssyncset.done $0x0  }
0x1c: {  	s26 =	simm.s32 $0x1B8E;
	s25 =	sld [smem:$0x3FFE];
	[sflag:s24] =	ssyncadd.s32 $0xFFFFFFFF  }
0x1d: {  	s27 =	simm.s32 $execute0_lowered;
	[smem:$0x3FD2] =	sst s26  }
0x1e: {  	s4 =	sshll.u32 s27, $0x1;
	_ =	strace $0x80000046;
	[dreg:$0x1] =	wrdreg $0xFFFFFFFF  }
0x1f: {  	s28 =	simm.s32 $_size_execute0_lowered;
	s1 =	sadd.s32 s1, s4;
	[dreg:$0x0] =	wrdreg $0x0  }
0x20: {  	s4 =	sshll.u32 s28, $0x1;
	[dreg:$0x2] =	wrdreg s1  }
0x21: {  	[dreg:$0x3] =	wrdreg s4  }
0x22: {  	[dreg:$0x4] =	wrdreg $0xC0  }
0x23: {  	_ =	task [dreg:s6], $0x5FFFF  }
0x24: {  	[dreg:$0x1] =	wrdreg $0xFFFFFFFF  }
0x25: {  	[dreg:$0x0] =	wrdreg $0x60  }
0x26: {  	[dreg:$0x2] =	wrdreg s25  }
0x27: {  	[dreg:$0x3] =	wrdreg $0x9  }
0x28: {  	_ =	task.clear_ibuf [dreg:s6], $0x4FFFF;
	_ =	strace $0x90000046  }
0x29: {  	s29 =	simm.s32 $0x9;
	_ =	strace $0x80000048  }
0x2a: {  	_ =	swait.ge [sflag:s29], $0x1  }
0x2b: {  	[sflag:s29] =	ssyncadd.s32 $0xFFFFFFFF  }
0x2c: {  	_ =	strace $0x90000048  }
0x2d: {  	_ =	sfence  }
0x2e: {  	s30 =	sld [smem:$0x0];
	_ =	sdelay $0x2  }
0x2f: {  	s31 =	sshll.u32 s3, $0xD;
	s3 =	sshrl.u32 s3, $0x2  }
0x30: {  	s2 =	sand.u32 $0x4000, s31;
	s1 =	sadd.s32 s3, s30  }
0x31: {  	s0 =	sor.u32 s2, s0;
	s1 =	sshll.u32 s1, $0x11  }
0x32: {  	s0 =	sor.u32 s1, s0  }
0x33: {  	s0 =	sadd.s32 $0x8F2B, s0  }
0x34: {  	[sflag:s0] =	ssyncadd.remote.s32 $0x1  }
0x35: {  	_ =	sfence.sel $0xFFFF  }
0x36: {  	[dreg:$0x0] =	wrdreg $0xFFFFFFFF;
	(pc) =	sbr.abs _section_cstart, $3  }
0x37: {  	[dreg:$0x1] =	wrdreg $0xFFFFFFFF  }
0x38: {  	_ =	task.clear_ibuf [dreg:s6], $0x2FFFF;
	_ =	strace $0x9FFFFFFF  }
0x39: {  	(tm) =	ssettm $0x7FFFFFFF  }
tec
execute0_lowered:
.L_overlay_start_1:
0x0: {  	(tag) =	ssettag $0x1  }
0x1: {  	s0 =	srdreg.scid  }
0x2: {  	s6 =	rddreg [dreg:$0x0];
	s3 =	simm.s32 $0x1;
	s7 =	simm.s32 $0x2  }
0x3: {  	s13 =	simm.s32 $0x0;
	p0 =	por $0x0, $0x0;
	s1 =	sshll.u32 s0, $0x4  }
0x4: {  	s8 =	simm.s32 $0x3A800;
	s0 =	stileid.u32;
	s1 =	sand.u32 $0x10, s1  }
0x5: {  	s15 =	simm.s32 $0x0;
	s14 =	simm.s32 $0x0;
	s2 =	sor.u32 s0, s1  }
.Ltmp0:
0x6: {  	s9 =	simm.s32 $0x0;
	s4 =	ssub.s32 $0x83, s2;
	(pc) =	sbr.rel .LBB1_1-.Ltmp0, $4  }
0x7: {  	s11 =	simm.s32 $0x0;
	s12 =	simm.s32 $0x0;
	s4 =	sshrl.u32 s4, $0x5  }
0x8: {  	s1 =	rddreg [dreg:$0x1];
	_ =	strace $0x80000047;
	s4 =	smul.u32 $0x1B, s4  }
0x9: {  	s5 =	sadd.s32 $0x2A00, s6;
	s6 =	sadd.s32 $0x42F600, s6;
	[sflag:s3] =	ssyncpa.u1 $0x0  }
0xa: {  	s10 =	smov.u32 s2;
	[sflag:s7] =	ssyncpa.u1 $0x0;
	s7 =	sadd.s32 $0x1, s4  }
.LBB1_4:
0xb: {  	_ =	sdelay $0x3  }
0xc: {  	s23 =	sor.u32 s26, s25;
	v47 =	vld.idx.msk [tilespmem:v0+s18+$0x470 ss:$0x1], $0xffff  }
0xd: {  	v57 =	vld.idx.msk [tilespmem:v0+s23+$0x410 ss:$0x1], $0xffff  }
0xe: {  	[tilespmem:s20+$0x1860 ss:$0x41] =	vst.msk $0xffff, v8;
	v58 =	vld.idx.msk [tilespmem:v0+s23+$0x420 ss:$0x1], $0xffff  }
0xf: {  	[tilespmem:s20+$0x1C70 ss:$0x41] =	vst.msk $0xffff, v7;
	v59 =	vld.idx.msk [tilespmem:v0+s23+$0x430 ss:$0x1], $0xffff  }
0x10: {  	[tilespmem:s20+$0x2490 ss:$0x41] =	vst.msk $0xffff, v1;
	v60 =	vld.idx.msk [tilespmem:v0+s23+$0x440 ss:$0x1], $0xffff  }
0x11: {  	[tilespmem:s20+$0x28A0 ss:$0x41] =	vst.msk $0xffff, v2;
	s24 =	sand.u32 $0x3B00, s23;
	v61 =	vld.idx.msk [tilespmem:v0+s23+$0x450 ss:$0x1], $0xffff  }
0x12: {  	s22 =	sand.u32 $0x80, s22;
	[tilespmem:s20+$0x2CB0 ss:$0x41] =	vst.msk $0xffff, v3;
	v62 =	vld.idx.msk [tilespmem:v0+s23+$0x460 ss:$0x1], $0xffff;
	s17 =	sadd.s32 s24, s17  }
0x13: {  	[tilespmem:s20+$0x30C0 ss:$0x41] =	vst.msk $0xffff, v4;
	v63 =	vld.idx.msk [tilespmem:v0+s23+$0x470 ss:$0x1], $0xffff;
	s17 =	sadd.s32 s22, s17  }
0x14: {  	[tilespmem:s20+$0x34D0 ss:$0x41] =	vst.msk $0xffff, v5;
	v48 =	vld [tilespmem:s17+$0x400]  }
0x15: {  	[tilespmem:s20+$0x38E0 ss:$0x41] =	vst.msk $0xffff, v6;
	s24 =	sshra.s32 s21, $0x2;
	v49 =	vld [tilespmem:s17+$0x0]  }
0x16: {  	s18 =	sadd.s32 s24, s19;
	v50 =	vld [tilespmem:s17+$0x10];
	[tilespmem:s20+$0x3CF0 ss:$0x41] =	vst.msk $0xffff, v47  }
0x17: {  	v51 =	vld [tilespmem:s17+$0x20];
	[tilespmem:s18+$0x2490 ss:$0x41] =	vst.msk $0xffff, v57  }
0x18: {  	v52 =	vld [tilespmem:s17+$0x30];
	[tilespmem:s18+$0x28A0 ss:$0x41] =	vst.msk $0xffff, v58  }
0x19: {  	v53 =	vld [tilespmem:s17+$0x40];
	[tilespmem:s18+$0x2CB0 ss:$0x41] =	vst.msk $0xffff, v59  }
0x1a: {  	v54 =	vld [tilespmem:s17+$0x50];
	[tilespmem:s18+$0x30C0 ss:$0x41] =	vst.msk $0xffff, v60  }
0x1b: {  	s25 =	sshll.u32 s15, $0x8;
	s26 =	sshll.u32 s13, $0x3;
	v55 =	vld [tilespmem:s17+$0x60];
	[tilespmem:s18+$0x34D0 ss:$0x41] =	vst.msk $0xffff, v61  }
0x1c: {  	s27 =	sshll.u32 s15, $0x7;
	s19 =	sand.u32 $0xFFFFFC00, s26;
	v56 =	vld [tilespmem:s17+$0x70];
	s17 =	sand.u32 $0xFFFFF800, s25;
	[tilespmem:s18+$0x38E0 ss:$0x41] =	vst.msk $0xffff, v62  }
0x1d: {  	s28 =	sand.u32 $0x300, s27;
	s17 =	sadd.s32 s17, s19;
	[tilespmem:s18+$0x3CF0 ss:$0x41] =	vst.msk $0xffff, v63  }
0x1e: {  	s17 =	sor.u32 s28, s17;
	[tilespmem:s18+$0x2080 ss:$0x41] =	vst.msk $0xffff, v48  }
0x1f: {  	s17 =	sshrl.u32 s17, $0x8;
	[tilespmem:s18+$0x0 ss:$0x41] =	vst.msk $0xffff, v49  }
0x20: {  	s29 =	smulhi.u32 $0x2762763, s17;
	[tilespmem:s18+$0x410 ss:$0x41] =	vst.msk $0xffff, v50  }
0x21: {  	s14 =	smul.u32 $0xD00, s14;
	[tilespmem:s18+$0x820 ss:$0x41] =	vst.msk $0xffff, v51  }
0x22: {  	s30 =	sand.u32 $0x78, s13;
	s15 =	sand.u32 $0x80, s27;
	[tilespmem:s18+$0xC30 ss:$0x41] =	vst.msk $0xffff, v52;
	s19 =	smul.u32 $0x68, s29  }
0x23: {  	s31 =	sand.u32 $0x7, s13;
	s15 =	sor.u32 s30, s15;
	[tilespmem:s18+$0x1040 ss:$0x41] =	vst.msk $0xffff, v53  }
0x24: {  	s14 =	sadd.s32 s6, s14;
	s15 =	sshrl.u32 s15, $0x3;
	[tilespmem:s18+$0x1450 ss:$0x41] =	vst.msk $0xffff, v54;
	s17 =	ssub.s32 s17, s19  }
0x25: {  	s13 =	sshll.u32 s31, $0x12;
	s14 =	sadd.s32 s15, s14;
	[tilespmem:s18+$0x1860 ss:$0x41] =	vst.msk $0xffff, v55;
	s17 =	sshll.u32 s17, $0x5  }
0x26: {  	s13 =	sor.u32 $0x40, s13;
	[tilespmem:s18+$0x1C70 ss:$0x41] =	vst.msk $0xffff, v56;
	s14 =	sadd.s32 s17, s14  }
0x27: {  	[hbm4b:s14+s13] =	stream.strided.scatter [tilespmem:s16], [sflag:$0x2], $0x4000, s8, s13, $0x18;
	[tilespmem:$0x10200] =	vst v63  }
.LBB1_5:
0x28: {  	s16 =	sadd.s32 $0x40, s9  }
0x29: {  	s13 =	sadd.s32 $0x20, s10;
	s17 =	smov.u32 s10;
	p2 =	sgt.s32 s16, $0x97  }
0x2a: {  	s17 =	smov.u32 @p2 s13  }
0x2b: {  	s13 =	simm.s32 $0x1;
	p3 =	sgt.s32 s17, $0x63  }
0x2c: {  	s13 =	simm.s32 @!p3 $0x0  }
0x2d: {  	s19 =	sadd.s32 s13, s11  }
0x2e: {  	s16 =	simm.s32 @p2 $0x0;
	p2 =	sgt.s32 s19, $0x8  }
0x2f: {  	p1 =	slt.u32 s12, $0x2;
	s19 =	simm.s32 @p2 $0x0;
	p2 =	sne.s32 s12, s7  }
.Ltmp1:
0x30: {  	s18 =	simm.s32 @!p1 $0x2;
	(pc) =	sbr.rel @!p2 .LBB1_6-.Ltmp1, $4  }
0x31: {  	s15 =	smov.u32 s10;
	s14 =	smov.u32 s11;
	_ =	swait.ge @!p1 [sflag:s18], $0x4000  }
0x32: {  	p0 =	por !p0, !p0;
	[sflag:s18] =	ssyncset.done @!p1 $0x0;
	s17 =	smov.u32 @p3 s2  }
0x33: {  	[sflag:s18] =	ssyncadd.s32 @!p1 $0xFFFFC000;
	s13 =	smov.u32 s9;
	s9 =	smov.u32 s16  }
0x34: {  	s10 =	smov.u32 s17;
	s12 =	sadd.s32 $0x1, s12;
	s11 =	smov.u32 s19  }
.LBB1_1:
0x35: {  	p1 =	sge.u32 s12, s4  }
0x36: {  	s18 =	smov.u32 s11;
	s31 =	sadd.s32 $0xFFFFFFFF, s12;
	s16 =	sshll.u32 @!p1 s9, $0x8  }
0x37: {  	s17 =	sshll.u32 @!p1 s9, $0x7;
	p2 =	sgt.s32 @!p1 s11, $0x8;
	s19 =	sshra.s32 @!p1 s11, $0x1F  }
0x38: {  	s20 =	sshra.s32 @!p1 s10, $0x1F;
	s16 =	sand.u32 @!p1 $0xFFFFF800, s16;
	s17 =	sand.u32 @!p1 $0x300, s17  }
0x39: {  	p2 =	por !p2, p1;
	s19 =	sand.u32 @!p1 s19, s11;
	s16 =	sor.u32 @!p1 s17, s16  }
0x3a: {  	s18 =	simm.s32 @p2 $0x8;
	p2 =	sgt.s32 @!p1 s10, $0x63;
	s16 =	sshrl.u32 @!p1 s16, $0x8  }
0x3b: {  	s18 =	ssub.s32 @!p1 s18, s19;
	p2 =	por !p2, p1;
	s19 =	smov.u32 s10  }
0x3c: {  	s20 =	sand.u32 @!p1 s20, s10;
	s17 =	smulhi.u32 @!p1 $0x1AF286C, s16;
	s19 =	simm.s32 @p2 $0x63  }
0x3d: {  	p2 =	sgt.s32 @!p1 s9, $0x58;
	s18 =	sadd.s32 @!p1 $0xFFFFFFF8, s18;
	s19 =	ssub.s32 @!p1 s19, s20  }
0x3e: {  	p2 =	por !p2, p1;
	s20 =	smov.u32 s9;
	p3 =	sgt.s32 @!p1 s18, $0x0  }
0x3f: {  	s18 =	sshll.u32 @!p1 s18, $0x8;
	s17 =	smul.u32 @!p1 $0x98, s17;
	s21 =	sadd.s32 @!p1 $0xFFFFFF9D, s19  }
0x40: {  	s20 =	simm.s32 @p2 $0x58;
	p2 =	sgt.s32 @!p1 s21, $0x0;
	s21 =	sshra.s32 @!p1 s9, $0x1F  }
0x41: {  	s19 =	ssub.s32 @!p1 $0x64, s19;
	s18 =	ssub.s32 @!p1 $0x100, s18;
	s21 =	sand.u32 @!p1 s21, s9  }
0x42: {  	p3 =	por !p3, p1;
	p2 =	por !p2, p1;
	s20 =	ssub.s32 @!p1 s20, s21  }
0x43: {  	s18 =	simm.s32 @!p3 $0x0;
	s19 =	simm.s32 @!p2 $0x0;
	s21 =	sadd.s32 @!p1 $0xFFFFFFA8, s20  }
0x44: {  	s16 =	ssub.s32 @!p1 s16, s17;
	s18 =	smul.u32 @!p1 s19, s18;
	p2 =	sgt.s32 @!p1 s21, $0x3F  }
0x45: {  	s19 =	ssub.s32 @!p1 $0x98, s20;
	s20 =	smul.u32 @!p1 $0x76C00, s11;
	p2 =	por !p2, p1  }
0x46: {  	s17 =	smul.u32 @!p1 $0x1300, s10;
	s21 =	sxor.u32 @!p1 $0xFFFFFFFF, s12;
	s19 =	simm.s32 @!p2 $0x0  }
0x47: {  	s20 =	sadd.s32 @!p1 s5, s20;
	s18 =	smul.u32 @!p1 s19, s18;
	s19 =	sshll.u32 @!p1 s9, $0x4  }
0x48: {  	s21 =	sshll.u32 @!p1 s21, $0xE;
	s17 =	sadd.s32 @!p1 s17, s20;
	s19 =	sand.u32 @!p1 $0x10, s19  }
0x49: {  	s16 =	sshll.u32 @!p1 s16, $0x5;
	s20 =	sand.u32 @!p1 $0x4000, s21;
	s17 =	sadd.s32 @!p1 s19, s17  }
0x4a: {  	s18 =	sand.u32 @!p1 $0x3FFFFF00, s18;
	s16 =	sadd.s32 @!p1 s16, s17;
	s17 =	simm.s32 @!p1 $0x0  }
0x4b: {  	[tilespmem:s20], [sflag:$0x1] =	stream.linear.gather @!p1 [hbm4b:s16+s17], s18, $0x38;
	[tilespmem:$0x10200] =	vst v63  }
0x4c: {  	p1 =	sge.u32 s31, s4  }
.Ltmp2:
0x4d: {  	_ = 	snop;
	(pc) =	sbr.rel @p1 .LBB1_5-.Ltmp2, $1  }
0x4e: {  	_ =	sdelay $0x3  }
0x4f: {  	p1 =	sgt.s32 s14, $0x8  }
0x50: {  	s16 =	smov.u32 s14;
	s17 =	sshra.s32 s14, $0x1F;
	s18 =	sshra.s32 s15, $0x1F  }
0x51: {  	p2 =	sgt.s32 s13, $0x58;
	s16 =	simm.s32 @!p1 $0x8;
	s17 =	sand.u32 s17, s14  }
0x52: {  	s20 =	sshra.s32 s13, $0x1F;
	p1 =	sgt.s32 s15, $0x63;
	s16 =	ssub.s32 s16, s17  }
0x53: {  	s18 =	sand.u32 s18, s15;
	s17 =	smov.u32 s15;
	s16 =	sadd.s32 $0xFFFFFFF8, s16  }
0x54: {  	s26 =	sand.u32 s20, s13;
	s17 =	simm.s32 @!p1 $0x63;
	p1 =	sgt.s32 s16, $0x0  }
0x55: {  	s17 =	ssub.s32 s17, s18;
	s18 =	smov.u32 s13;
	s16 =	sshll.u32 s16, $0x8  }
0x56: {  	s19 =	sadd.s32 $0xFFFFFF9D, s17;
	s18 =	simm.s32 @!p2 $0x58;
	s17 =	ssub.s32 $0x64, s17  }
0x57: {  	s16 =	ssub.s32 $0x100, s16;
	p2 =	sgt.s32 s19, $0x0;
	s18 =	ssub.s32 s18, s26  }
0x58: {  	s16 =	simm.s32 @p1 $0x0;
	s17 =	simm.s32 @p2 $0x0;
	s19 =	sadd.s32 $0xFFFFFFA8, s18  }
0x59: {  	s18 =	ssub.s32 $0x98, s18;
	p1 =	sgt.s32 s19, $0x3F;
	s16 =	smul.u32 s17, s16  }
0x5a: {  	s21 =	sand.u32 $0x1, s12;
	s18 =	simm.s32 @p1 $0x0  }
0x5b: {  	s17 =	sshll.u32 s21, $0xE;
	s16 =	smul.u32 s18, s16  }
0x5c: {  	v0 =	vmov s17  }
0x5d: {  	s28 =	simm.s32 $0x0;
	s16 =	sand.u32 $0x3FFFFF00, s16  }
0x5e: {  	s29 =	sand.u32 $0x3800, s28;
	_ =	swait.ge [sflag:s3], s16  }
0x5f: {  	s30 =	sand.u32 $0x380, s28;
	s27 =	ssub.s32 $0x0, s16;
	[sflag:s3] =	ssyncset.done $0x0  }
0x60: {  	s18 =	sor.u32 s30, s29;
	[sflag:s3] =	ssyncadd.s32 s27  }
0x61: {  	s19 =	sand.u32 $0x3B00, s18;
	v1 =	vld.idx.msk [tilespmem:v0+s18+$0x410 ss:$0x1], $0xffff  }
0x62: {  	s20 =	simm.s32 $0x1;
	s19 =	sadd.s32 s19, s17;
	s16 =	sand.u32 $0x80, s28;
	v2 =	vld.idx.msk [tilespmem:v0+s18+$0x420 ss:$0x1], $0xffff  }
0x63: {  	s20 =	simm.s32 @!p0 $0x0;
	s16 =	sadd.s32 s16, s19;
	v3 =	vld.idx.msk [tilespmem:v0+s18+$0x430 ss:$0x1], $0xffff  }
0x64: {  	s31 =	smul.u32 $0x10400, s20;
	v4 =	vld [tilespmem:s16+$0x400]  }
0x65: {  	v5 =	vld [tilespmem:s16+$0x0]  }
0x66: {  	s19 =	sshrl.u32 s31, $0x2;
	v6 =	vld [tilespmem:s16+$0x10]  }
0x67: {  	s19 =	sor.u32 $0x8000, s19;
	v7 =	vld [tilespmem:s16+$0x20]  }
0x68: {  	s20 =	sadd.s32 $0x0, s19;
	v9 =	vld [tilespmem:s16+$0x30]  }
0x69: {  	v10 =	vld [tilespmem:s16+$0x40];
	[tilespmem:s20+$0x2080 ss:$0x41] =	vst.msk $0xffff, v4  }
0x6a: {  	v11 =	vld [tilespmem:s16+$0x50];
	[tilespmem:s20+$0x0 ss:$0x41] =	vst.msk $0xffff, v5  }
0x6b: {  	v8 =	vld [tilespmem:s16+$0x60];
	[tilespmem:s20+$0x410 ss:$0x41] =	vst.msk $0xffff, v6  }
0x6c: {  	s21 =	smul.u32 $0x10400, s21;
	[tilespmem:s20+$0x820 ss:$0x41] =	vst.msk $0xffff, v7;
	v7 =	vld [tilespmem:s16+$0x70]  }
0x6d: {  	s22 =	simm.s32 $0x80;
	s23 =	simm.s32 $0x100;
	[tilespmem:s20+$0xC30 ss:$0x41] =	vst.msk $0xffff, v9;
	v4 =	vld.idx.msk [tilespmem:v0+s18+$0x440 ss:$0x1], $0xffff  }
0x6e: {  	s24 =	simm.s32 $0x8;
	s25 =	sand.u32 $0x3800, s23;
	s21 =	sshrl.u32 s21, $0x2;
	[tilespmem:s20+$0x1040 ss:$0x41] =	vst.msk $0xffff, v10;
	v5 =	vld.idx.msk [tilespmem:v0+s18+$0x450 ss:$0x1], $0xffff  }
0x6f: {  	s26 =	sand.u32 $0x380, s22;
	s16 =	sor.u32 $0x8000, s21;
	s21 =	simm.s32 $0x4;
	[tilespmem:s20+$0x1450 ss:$0x41] =	vst.msk $0xffff, v11;
	v6 =	vld.idx.msk [tilespmem:v0+s18+$0x460 ss:$0x1], $0xffff  }
.LBB1_3:
0x70: {  	p1 =	sne.s32 s24, $0xFC;
	[tilespmem:s20+$0x1860 ss:$0x41] =	vst.msk $0xffff, v8;
	v8 =	vld.idx.msk [tilespmem:v0+s18+$0x470 ss:$0x1], $0xffff;
	s18 =	sor.u32 s26, s25  }
0x71: {  	s25 =	sand.u32 $0x3B00, s18;
	v9 =	vld.idx.msk [tilespmem:v0+s18+$0x410 ss:$0x1], $0xffff;
	[tilespmem:s20+$0x1C70 ss:$0x41] =	vst.msk $0xffff, v7  }
0x72: {  	s26 =	sand.u32 $0x80, s22;
	s25 =	sadd.s32 s25, s17;
	v7 =	vld.idx.msk [tilespmem:v0+s18+$0x420 ss:$0x1], $0xffff;
	[tilespmem:s20+$0x2490 ss:$0x41] =	vst.msk $0xffff, v1  }
0x73: {  	s25 =	sadd.s32 s26, s25;
	v10 =	vld.idx.msk [tilespmem:v0+s18+$0x430 ss:$0x1], $0xffff;
	[tilespmem:s20+$0x28A0 ss:$0x41] =	vst.msk $0xffff, v2  }
0x74: {  	v11 =	vld [tilespmem:s25+$0x400];
	[tilespmem:s20+$0x2CB0 ss:$0x41] =	vst.msk $0xffff, v3  }
0x75: {  	v12 =	vld [tilespmem:s25+$0x0];
	[tilespmem:s20+$0x30C0 ss:$0x41] =	vst.msk $0xffff, v4  }
0x76: {  	v4 =	vld [tilespmem:s25+$0x10];
	[tilespmem:s20+$0x34D0 ss:$0x41] =	vst.msk $0xffff, v5  }
0x77: {  	s26 =	sshra.s32 s21, $0x2;
	s21 =	smov.u32 s24;
	v1 =	vmov v9;
	v5 =	vld [tilespmem:s25+$0x20];
	[tilespmem:s20+$0x38E0 ss:$0x41] =	vst.msk $0xffff, v6  }
0x78: {  	v2 =	vmov v7;
	v6 =	vld [tilespmem:s25+$0x30];
	[tilespmem:s20+$0x3CF0 ss:$0x41] =	vst.msk $0xffff, v8;
	s20 =	sadd.s32 s26, s19  }
0x79: {  	v3 =	vmov v10;
	v9 =	vld [tilespmem:s25+$0x40];
	[tilespmem:s20+$0x2080 ss:$0x41] =	vst.msk $0xffff, v11  }
0x7a: {  	[tilespmem:s20+$0x0 ss:$0x41] =	vst.msk $0xffff, v12;
	v10 =	vld [tilespmem:s25+$0x50]  }
.Ltmp3:
0x7b: {  	[tilespmem:s20+$0x410 ss:$0x41] =	vst.msk $0xffff, v4;
	v8 =	vld [tilespmem:s25+$0x60];
	(pc) =	sbr.rel @p1 .LBB1_3-.Ltmp3, $4  }
0x7c: {  	[tilespmem:s20+$0x820 ss:$0x41] =	vst.msk $0xffff, v5;
	v7 =	vld [tilespmem:s25+$0x70]  }
0x7d: {  	[tilespmem:s20+$0xC30 ss:$0x41] =	vst.msk $0xffff, v6;
	v4 =	vld.idx.msk [tilespmem:v0+s18+$0x440 ss:$0x1], $0xffff  }
0x7e: {  	s22 =	sadd.s32 $0x80, s22;
	s23 =	sadd.s32 $0x100, s23;
	[tilespmem:s20+$0x1040 ss:$0x41] =	vst.msk $0xffff, v9;
	v5 =	vld.idx.msk [tilespmem:v0+s18+$0x450 ss:$0x1], $0xffff  }
0x7f: {  	s24 =	sadd.s32 $0x4, s24;
	s26 =	sand.u32 $0x380, s22;
	s25 =	sand.u32 $0x3800, s23;
	[tilespmem:s20+$0x1450 ss:$0x41] =	vst.msk $0xffff, v10;
	v6 =	vld.idx.msk [tilespmem:v0+s18+$0x460 ss:$0x1], $0xffff  }
.Ltmp4:
0x80: {  	_ = 	snop;
	(pc) =	sbr.rel .LBB1_4-.Ltmp4, $1  }
0x81: {  	_ =	sdelay $0x3  }
.LBB1_6:
0x82: {  	_ =	sfence.sel $0x180000  }
0x83: {  	s2 =	simm.s32 $0x1;
	[bflag:$0x0] =	sbarrier.arrive $0xFFFF  }
0x84: {  	s31 =	simm.s32 $0x2;
	[sflag:s2] =	ssyncpa.u1 $0x1  }
0x85: {  	[sflag:s31] =	ssyncpa.u1 $0x1  }
0x86: {  	p0 =	sne.s32 s0, $0x0;
	_ =	strace $0x90000047  }
0x87: {  	s0 =	sadd.s32 @!p0 $0x100000, s1;
	[bflag:$0x2] =	sbarrier.arrive $0xFFFF  }
0x88: {  	[sflag:s0] =	ssyncadd.tile.s32 @!p0 $0x1;
	_ =	shalt  }
.Lfunc_end1:
_tile_overlayer_lowered:
.L_overlay_start_2:
0x89: {  	(tag) =	ssettag $0x2  }
0x8a: {  	s0 =	rddreg [dreg:$0x0];
	s2 =	stileid.u32  }
0x8b: {  	s1 =	rddreg [dreg:$0x1];
	p0 =	sne.s32 s2, $0x0  }
0x8c: {  	s3 =	rddreg [dreg:$0x2];
	[bflag:$0x3] =	sbarrier.arrive $0xFFFF;
	s2 =	simm.s32 @!p0 $0x1C01  }
0x8d: {  	[timem:s3], [sflag:s2] =	dma.local @!p0 [hbm:s0], s1  }
0x8e: {  	s0 =	simm.s32 @!p0 $0x1  }
0x8f: {  	_ =	swait.ge @!p0 [sflag:s0], s1  }
0x90: {  	s1 =	ssub.s32 @!p0 $0x0, s1;
	[sflag:s0] =	ssyncset.done @!p0 $0x0  }
0x91: {  	[sflag:s0] =	ssyncadd.s32 @!p0 s1  }
0x92: {  	[bflag:$0x3] =	sbarrier.arrive $0xFFFF  }
0x93: {  	_ =	shalt  }

</sc_bundles>
